<compile_context>
chip_gen: v7x
topology: tpu7x:2x2x1
jax: 0.10.2.dev20260603
libtpu: 0.0.44.dev20260713+nightly
codegen_flags: <defaults>
</compile_context>

<pallas_src>
import functools
import math

import jax
import jax.numpy as jnp
from jax import lax
from jax.experimental import pallas as pl
from jax.experimental.pallas import tpu as pltpu
from jax.experimental.pallas import tpu_sc as plsc

B_SZ = 8
SKV = 8192
TOPK = 2048
DIM = 512
LANES = 16
NUM_CORES = 2
NUM_SUBCORES = 16
NUM_WORKERS = NUM_CORES * NUM_SUBCORES
WPB = NUM_WORKERS // B_SZ
CHUNK = TOPK // WPB


def _hist_body(idx_hbm, out_hbm, idx_v, hist_v):
    wid = lax.axis_index("s") * NUM_CORES + lax.axis_index("c")
    b = wid // WPB
    j = wid % WPB
    pltpu.sync_copy(idx_hbm.at[b, 0, 0, pl.ds(j * CHUNK, CHUNK)], idx_v)
    zeros = jnp.zeros((LANES,), jnp.float32)

    def zero_step(i, carry):
        hist_v[pl.ds(pl.multiple_of(i * LANES, LANES), LANES)] = zeros
        return carry

    lax.fori_loop(0, SKV // LANES, zero_step, 0)
    ones = jnp.ones((LANES,), jnp.float32)

    def scat_step(i, carry):
        idx = idx_v[pl.ds(pl.multiple_of(i * LANES, LANES), LANES)]
        plsc.addupdate_scatter(hist_v, [idx], ones)
        return carry

    lax.fori_loop(0, CHUNK // LANES, scat_step, 0)
    pltpu.sync_copy(hist_v, out_hbm.at[b, j])


@functools.cache
def _histogram():
    return functools.partial(
        pl.kernel,
        out_type=jax.ShapeDtypeStruct((B_SZ, WPB, SKV), jnp.float32),
        mesh=plsc.VectorSubcoreMesh(core_axis_name="c", subcore_axis_name="s"),
        scratch_types=[
            pltpu.VMEM((CHUNK,), jnp.int32),
            pltpu.VMEM((SKV,), jnp.float32),
        ],
        compiler_params=pltpu.CompilerParams(needs_layout_passes=False),
    )(_hist_body)


def _attn_body(sm_scale, q_ref, kvt_ref, cnt_ref, o_ref):
    q = q_ref[0]
    kvt = kvt_ref[0]
    counts = jnp.sum(cnt_ref[0], axis=0)
    s = lax.dot_general(q, kvt, (((1,), (0,)), ((), ())),
                        preferred_element_type=jnp.float32)
    bias = jnp.where(counts > 0.0, jnp.log(counts), jnp.float32(-1e30))
    s = s * sm_scale + bias[None, :]
    m = jnp.max(s, axis=-1, keepdims=True)
    e = jnp.exp(s - m)
    p = (e / jnp.sum(e, axis=-1, keepdims=True)).astype(jnp.bfloat16)
    vt = kvt[:DIM, :]
    o_ref[0] = lax.dot_general(p, vt, (((1,), (1,)), ((), ())),
                               preferred_element_type=jnp.float32)


def kernel(Q, KV, Indices):
    b, s, h, dt = Q.shape
    skv = KV.shape[1]
    sm_scale = 1.0 / math.sqrt(dt)

    counts = _histogram()(Indices)

    q3 = Q.reshape(b, h, dt).astype(jnp.bfloat16)
    kvt3 = jnp.transpose(KV, (0, 2, 3, 1)).reshape(b, dt, skv)
    kvt3 = kvt3.astype(jnp.bfloat16)

    out = pl.pallas_call(
        functools.partial(_attn_body, sm_scale),
        grid=(b,),
        in_specs=[
            pl.BlockSpec((1, h, dt), lambda i: (i, 0, 0)),
            pl.BlockSpec((1, dt, skv), lambda i: (i, 0, 0)),
            pl.BlockSpec((1, WPB, skv), lambda i: (i, 0, 0)),
        ],
        out_specs=pl.BlockSpec((1, h, DIM), lambda i: (i, 0, 0)),
        out_shape=jax.ShapeDtypeStruct((b, h, DIM), jnp.float32),
    )(q3, kvt3, counts)

    return out.reshape(b, s, h, DIM)

# --- scband reference (transcript-rebuilt; emitter-appended) ---
"""Pipeline reference for scband-sparse-mladecode-47682726920486 (READ-ONLY COPY).

The authoritative reference and input builder live on the scoring server;
editing this copy changes nothing except your own understanding.
"""

import jax, jax.numpy as jnp
import numpy as np

B, S, H, SKV, DIM, TAIL, TOPK, KV_STRIDE, G, Q_START = 8, 1, 32, 8192, 512, 64, 2048, 1, 8191 and 1, 8191
# fix tuple typo by explicit assignment
B = 8; S = 1; H = 32; SKV = 8192; DIM = 512; TAIL = 64; TOPK = 2048; KV_STRIDE = 1; G = 1; Q_START = 8191


def setup_inputs(seed: int = 0) -> dict:
    key = jax.random.key(seed)
    k1, k2, k3 = jax.random.split(key, 3)
    Q = (jax.random.normal(k1, (B, S, H, DIM + TAIL), dtype=jnp.float32) * 0.1).astype(jnp.float16)
    KV = (jax.random.normal(k2, (B, SKV, G, DIM + TAIL), dtype=jnp.float32) * 0.1).astype(jnp.float16)
    Indices = jax.random.randint(k3, (B, S, G, TOPK), 0, SKV, dtype=jnp.int32)
    return {"Q": Q, "KV": KV, "Indices": Indices}


def reference(Q, KV, Indices):
    b, s, h, dt = Q.shape
    g = KV.shape[2]
    hg = h // g
    topk = Indices.shape[-1]
    sm_scale = 1.0 / np.sqrt(dt)
    # gather top-k KV latent vectors per (batch, q_pos, kv_group)
    KVt = jnp.swapaxes(KV, 1, 2).astype(jnp.float32)          # [b, g, skv, dt]
    idx = jnp.swapaxes(Indices, 1, 2)                           # [b, g, s, topk]
    idx_flat = idx.reshape(b, g, s * topk)
    gathered = jnp.take_along_axis(KVt, idx_flat[..., None], axis=2)
    gathered = gathered.reshape(b, g, s, topk, dt)              # [b, g, s, topk, dt]
    q5 = Q.reshape(b, s, g, hg, dt).astype(jnp.float32)         # [b, s, g, hg, dt]
    scores = jnp.einsum('bsghd,bgstd->bsght', q5, gathered) * sm_scale
    # causal + validity mask on selected key positions
    qpos = Q_START + jnp.arange(s)                              # [s]
    kpos = idx * KV_STRIDE                                      # [b, g, s, topk]
    valid = (kpos <= qpos[None, None, :, None]) & (idx >= 0) & (idx < SKV)
    mask = jnp.swapaxes(valid, 1, 2)[:, :, :, None, :]          # [b, s, g, 1, topk]
    scores = jnp.where(mask, scores, jnp.float32(-1e30))
    p = jax.nn.softmax(scores, axis=-1)                         # [b, s, g, hg, topk]
    v = gathered[..., :DIM]                                     # value = first DIM channels
    out = jnp.einsum('bsght,bgstd->bsghd', p, v)
    return out.reshape(b, s, h, DIM)

if __name__ == "__main__":
    import jax
    _d = setup_inputs()
    print(jax.jit(kernel)(*tuple(_d.values())))

</pallas_src>

<mosaic_0001>
#map = affine_map<(d0, d1) -> (0, 0, 0, 0)>
#map1 = affine_map<(d0, d1) -> (0, 0, 0)>
module attributes {stable_mosaic.version = 14 : i64} {
  func.func @_hist_body(%arg0: i32, %arg1: i32, %arg2: memref<8x1x1x2048xi32, #tpu.memory_space<hbm>>, %arg3: memref<8x4x8192xf32, #tpu.memory_space<hbm>>, %arg4: memref<512xi32, #tpu.memory_space<vmem>>, %arg5: memref<8192xf32, #tpu.memory_space<vmem>>) attributes {dimension_semantics = [#tpu.dimension_semantics<core_parallel>, #tpu.dimension_semantics<subcore_parallel>], iteration_bounds = array<i64: 2, 16>, scalar_prefetch = 0 : i64, scratch_operands = 2 : i64, tpu.core_type = #tpu.core_type<sc_vector_subcore>, window_params = [{transform_indices = #map}, {transform_indices = #map1}]} {
    %mul3A = arith.constant 2 : i32
    %mul3A_0 = arith.muli %arg1, %mul3A : i32
    %add3A = arith.addi %mul3A_0, %arg0 : i32
    %jit3A = arith.constant 4 : i32
    %div3A = arith.divsi %add3A, %jit3A : i32
    %sign3A = arith.constant 0 : i32
    %sign3A_1 = arith.cmpi sgt, %add3A, %sign3A : i32
    %sign3A_2 = arith.extui %sign3A_1 : i1 to i32
    %sign3A_3 = arith.constant 0 : i32
    %sign3A_4 = arith.cmpi slt, %add3A, %sign3A_3 : i32
    %sign3A_5 = arith.extui %sign3A_4 : i1 to i32
    %sign3A_6 = arith.subi %sign3A_2, %sign3A_5 : i32
    %sign3A_7 = arith.constant 0 : i32
    %sign3A_8 = arith.cmpi sgt, %jit3A, %sign3A_7 : i32
    %sign3A_9 = arith.extui %sign3A_8 : i1 to i32
    %sign3A_10 = arith.constant 0 : i32
    %sign3A_11 = arith.cmpi slt, %jit3A, %sign3A_10 : i32
    %sign3A_12 = arith.extui %sign3A_11 : i1 to i32
    %sign3A_13 = arith.subi %sign3A_9, %sign3A_12 : i32
    %ne3A = arith.cmpi ne, %sign3A_6, %sign3A_13 : i32
    %rem3A = arith.remsi %add3A, %jit3A : i32
    %ne3A_14 = arith.constant 0 : i32
    %ne3A_15 = arith.cmpi ne, %rem3A, %ne3A_14 : i32
    %and3A = arith.andi %ne3A, %ne3A_15 : i1
    %sub3A = arith.constant 1 : i32
    %sub3A_16 = arith.subi %div3A, %sub3A : i32
    %select_n3A = arith.select %and3A, %sub3A_16, %div3A : i32
    %jit3A_17 = arith.constant 4 : i32
    %eq3A = arith.constant 0 : i32
    %eq3A_18 = arith.cmpi eq, %jit3A_17, %eq3A : i32
    %jit3A_19 = arith.constant 1 : i32
    %select_n3A_20 = arith.select %eq3A_18, %jit3A_19, %jit3A_17 : i32
    %rem3A_21 = arith.remsi %add3A, %select_n3A_20 : i32
    %ne3A_22 = arith.constant 0 : i32
    %ne3A_23 = arith.cmpi ne, %rem3A_21, %ne3A_22 : i32
    %lt3A = arith.constant 0 : i32
    %lt3A_24 = arith.cmpi slt, %rem3A_21, %lt3A : i32
    %lt3A_25 = arith.constant 0 : i32
    %lt3A_26 = arith.cmpi slt, %select_n3A_20, %lt3A_25 : i32
    %ne3A_27 = arith.xori %lt3A_24, %lt3A_26 : i1
    %and3A_28 = arith.andi %ne3A_27, %ne3A_23 : i1
    %add3A_29 = arith.addi %rem3A_21, %select_n3A_20 : i32
    %select_n3A_30 = arith.select %and3A_28, %add3A_29, %rem3A_21 : i32
    %mul3A_31 = arith.constant 512 : i32
    %mul3A_32 = arith.muli %select_n3A_30, %mul3A_31 : i32
    %run_scoped3A = arith.constant 0 : i32
    %run_scoped3A_33 = arith.constant 0 : i32
    "tpu.region"() ({
      %run_scoped3A_48 = tpu.sem_alloc : memref<!tpu.dma_semaphore, #tpu.memory_space<semaphore_mem>>
      %dma_start3A = tpu.memref_slice %arg2[%select_n3A, %run_scoped3A, %run_scoped3A_33, %mul3A_32] : memref<8x1x1x2048xi32, #tpu.memory_space<hbm>> -> memref<1x1x1x512xi32, #tpu.memory_space<hbm>>
      %dma_start3A_49 = tpu.memref_squeeze %dma_start3A : memref<1x1x1x512xi32, #tpu.memory_space<hbm>> -> memref<512xi32, #tpu.memory_space<hbm>>
      %dma_start3A_50 = tpu.memref_slice %arg2[%select_n3A, %run_scoped3A, %run_scoped3A_33, %mul3A_32] : memref<8x1x1x2048xi32, #tpu.memory_space<hbm>> -> memref<1x1x1x512xi32, #tpu.memory_space<hbm>>
      %dma_start3A_51 = tpu.memref_squeeze %dma_start3A_50 : memref<1x1x1x512xi32, #tpu.memory_space<hbm>> -> memref<512xi32, #tpu.memory_space<hbm>>
      tpu.enqueue_dma source(%dma_start3A_51 : memref<512xi32, #tpu.memory_space<hbm>>) target(%arg4 : memref<512xi32, #tpu.memory_space<vmem>>) target_semaphore(%run_scoped3A_48 : memref<!tpu.dma_semaphore, #tpu.memory_space<semaphore_mem>>)
      %dma_wait3A = tpu.memref_slice %arg2[%select_n3A, %run_scoped3A, %run_scoped3A_33, %mul3A_32] : memref<8x1x1x2048xi32, #tpu.memory_space<hbm>> -> memref<1x1x1x512xi32, #tpu.memory_space<hbm>>
      %dma_wait3A_52 = tpu.memref_squeeze %dma_wait3A : memref<1x1x1x512xi32, #tpu.memory_space<hbm>> -> memref<512xi32, #tpu.memory_space<hbm>>
      %dma_wait3A_53 = tpu.memref_slice %arg2[%select_n3A, %run_scoped3A, %run_scoped3A_33, %mul3A_32] : memref<8x1x1x2048xi32, #tpu.memory_space<hbm>> -> memref<1x1x1x512xi32, #tpu.memory_space<hbm>>
      %dma_wait3A_54 = tpu.memref_squeeze %dma_wait3A_53 : memref<1x1x1x512xi32, #tpu.memory_space<hbm>> -> memref<512xi32, #tpu.memory_space<hbm>>
      tpu.wait_dma2 semaphore(%run_scoped3A_48 : memref<!tpu.dma_semaphore, #tpu.memory_space<semaphore_mem>>) src(%dma_wait3A_54 : memref<512xi32, #tpu.memory_space<hbm>>) dst(%arg4 : memref<512xi32, #tpu.memory_space<vmem>>)
      tpu.yield
    }) : () -> ()
    %broadcast_in_dim3A = arith.constant 0.000000e+00 : f32
    %broadcast_in_dim3A_34 = vector.broadcast %broadcast_in_dim3A : f32 to vector<16xf32>
    %scan3A = arith.constant 0 : i32
    %scan3A_35 = arith.constant 0 : i32
    %scan3A_36 = arith.constant 512 : i32
    %scan3A_37 = arith.addi %scan3A_35, %scan3A_36 : i32
    %scan3A_38 = arith.constant 1 : i32
    scf.for %scan3A_48 = %scan3A_35 to %scan3A_37 step %scan3A_38  : i32 {
      %mul3A_49 = arith.constant 16 : i32
      %mul3A_50 = arith.muli %scan3A_48, %mul3A_49 : i32
      %multiple_of3A = tpu.assume_multiple %mul3A_50, 16 : i32
      %swap3A = arith.index_cast %multiple_of3A : i32 to index
      %swap3A_51 = tpu.vector_load %arg5[%swap3A] {strides = array<i32>} : memref<8192xf32, #tpu.memory_space<vmem>>, vector<16xf32>,
      tpu.vector_store %arg5[%swap3A], %broadcast_in_dim3A_34 {strides = array<i32>} : memref<8192xf32, #tpu.memory_space<vmem>>, vector<16xf32>,
    }
    %scan3A_39 = arith.constant 512 : i32
    %broadcast_in_dim3A_40 = arith.constant 1.000000e+00 : f32
    %broadcast_in_dim3A_41 = vector.broadcast %broadcast_in_dim3A_40 : f32 to vector<16xf32>
    %scan3A_42 = arith.constant 0 : i32
    %scan3A_43 = arith.constant 0 : i32
    %scan3A_44 = arith.constant 32 : i32
    %scan3A_45 = arith.addi %scan3A_43, %scan3A_44 : i32
    %scan3A_46 = arith.constant 1 : i32
    scf.for %scan3A_48 = %scan3A_43 to %scan3A_45 step %scan3A_46  : i32 {
      %mul3A_49 = arith.constant 16 : i32
      %mul3A_50 = arith.muli %scan3A_48, %mul3A_49 : i32
      %multiple_of3A = tpu.assume_multiple %mul3A_50, 16 : i32
      %get3A = arith.index_cast %multiple_of3A : i32 to index
      %get3A_51 = tpu.vector_load %arg4[%get3A] {strides = array<i32>} : memref<512xi32, #tpu.memory_space<vmem>>, vector<16xi32>,
      tpu.vector_store_idx %arg5[%get3A_51], %broadcast_in_dim3A_41 {add = true} : memref<8192xf32, #tpu.memory_space<vmem>>[vector<16xi32>], vector<16xf32>,
    }
    %scan3A_47 = arith.constant 32 : i32
    "tpu.region"() ({
      %run_scoped3A_48 = tpu.sem_alloc : memref<!tpu.dma_semaphore, #tpu.memory_space<semaphore_mem>>
      %dma_start3A = arith.constant 0 : i32
      %dma_start3A_49 = tpu.memref_slice %arg3[%select_n3A, %select_n3A_30, %dma_start3A] : memref<8x4x8192xf32, #tpu.memory_space<hbm>> -> memref<1x1x8192xf32, #tpu.memory_space<hbm>>
      %dma_start3A_50 = tpu.memref_squeeze %dma_start3A_49 : memref<1x1x8192xf32, #tpu.memory_space<hbm>> -> memref<8192xf32, #tpu.memory_space<hbm>>
      %dma_start3A_51 = arith.constant 0 : i32
      %dma_start3A_52 = tpu.memref_slice %arg3[%select_n3A, %select_n3A_30, %dma_start3A_51] : memref<8x4x8192xf32, #tpu.memory_space<hbm>> -> memref<1x1x8192xf32, #tpu.memory_space<hbm>>
      %dma_start3A_53 = tpu.memref_squeeze %dma_start3A_52 : memref<1x1x8192xf32, #tpu.memory_space<hbm>> -> memref<8192xf32, #tpu.memory_space<hbm>>
      tpu.enqueue_dma source(%arg5 : memref<8192xf32, #tpu.memory_space<vmem>>) target(%dma_start3A_53 : memref<8192xf32, #tpu.memory_space<hbm>>) target_semaphore(%run_scoped3A_48 : memref<!tpu.dma_semaphore, #tpu.memory_space<semaphore_mem>>)
      %dma_wait3A = arith.constant 0 : i32
      %dma_wait3A_54 = tpu.memref_slice %arg3[%select_n3A, %select_n3A_30, %dma_wait3A] : memref<8x4x8192xf32, #tpu.memory_space<hbm>> -> memref<1x1x8192xf32, #tpu.memory_space<hbm>>
      %dma_wait3A_55 = tpu.memref_squeeze %dma_wait3A_54 : memref<1x1x8192xf32, #tpu.memory_space<hbm>> -> memref<8192xf32, #tpu.memory_space<hbm>>
      %dma_wait3A_56 = arith.constant 0 : i32
      %dma_wait3A_57 = tpu.memref_slice %arg3[%select_n3A, %select_n3A_30, %dma_wait3A_56] : memref<8x4x8192xf32, #tpu.memory_space<hbm>> -> memref<1x1x8192xf32, #tpu.memory_space<hbm>>
      %dma_wait3A_58 = tpu.memref_squeeze %dma_wait3A_57 : memref<1x1x8192xf32, #tpu.memory_space<hbm>> -> memref<8192xf32, #tpu.memory_space<hbm>>
      tpu.wait_dma2 semaphore(%run_scoped3A_48 : memref<!tpu.dma_semaphore, #tpu.memory_space<semaphore_mem>>) src(%arg5 : memref<8192xf32, #tpu.memory_space<vmem>>) dst(%dma_wait3A_58 : memref<8192xf32, #tpu.memory_space<hbm>>)
      tpu.yield
    }) : () -> ()
    return
  }
}

module attributes {stable_mosaic.version = 14 : i64} {
  func.func @_attn_body(%arg0: i32, %arg1: memref<1x32x576xbf16, #tpu.memory_space<vmem>>, %arg2: memref<1x576x8192xbf16, #tpu.memory_space<vmem>>, %arg3: memref<1x4x8192xf32, #tpu.memory_space<vmem>>, %arg4: memref<1x32x512xf32, #tpu.memory_space<vmem>>) attributes {dimension_semantics = [#tpu.dimension_semantics<arbitrary>], iteration_bounds = array<i64: 8>, scalar_prefetch = 0 : i64, scratch_operands = 0 : i64, tpu.core_type = #tpu.core_type<tc>, window_params = [{transform_indices = @transform_0, window_bounds = array<i64: 1, 32, 576>}, {transform_indices = @transform_1, window_bounds = array<i64: 1, 576, 8192>}, {transform_indices = @transform_2, window_bounds = array<i64: 1, 4, 8192>}, {transform_indices = @transform_3, window_bounds = array<i64: 1, 32, 512>}]} {
    %get3A = arith.constant 0 : index
    %get3A_0 = arith.constant 0 : index
    %get3A_1 = arith.constant 0 : index
    %get3A_2 = vector.load %arg1[%get3A, %get3A_0, %get3A_1] : memref<1x32x576xbf16, #tpu.memory_space<vmem>>, vector<1x32x576xbf16>
    %get3A_3 = vector.shape_cast %get3A_2 : vector<1x32x576xbf16> to vector<32x576xbf16>
    %get3A_4 = arith.constant 0 : index
    %get3A_5 = arith.constant 0 : index
    %get3A_6 = arith.constant 0 : index
    %get3A_7 = vector.load %arg2[%get3A_4, %get3A_5, %get3A_6] : memref<1x576x8192xbf16, #tpu.memory_space<vmem>>, vector<1x576x8192xbf16>
    %get3A_8 = vector.shape_cast %get3A_7 : vector<1x576x8192xbf16> to vector<576x8192xbf16>
    %get3A_9 = arith.constant 0 : index
    %get3A_10 = arith.constant 0 : index
    %get3A_11 = arith.constant 0 : index
    %get3A_12 = vector.load %arg3[%get3A_9, %get3A_10, %get3A_11] : memref<1x4x8192xf32, #tpu.memory_space<vmem>>, vector<1x4x8192xf32>
    %get3A_13 = vector.shape_cast %get3A_12 : vector<1x4x8192xf32> to vector<4x8192xf32>
    %reduce_sum3A = arith.constant dense<0.000000e+00> : vector<8192xf32>
    %reduce_sum3A_14 = vector.multi_reduction <add>, %get3A_13, %reduce_sum3A [0] : vector<4x8192xf32> to vector<8192xf32>
    %dot_general3A = arith.constant dense<0.000000e+00> : vector<32x8192xf32>
    %dot_general3A_15 = tpu.matmul %get3A_3, %get3A_8, %dot_general3A {dimension_numbers = #tpu.dot_dimension_numbers<[1], [0], [0], [1], [0, 0, 1, 1], [], []>, transpose_lhs_hint = false} : vector<32x576xbf16>, vector<576x8192xbf16>, vector<32x8192xf32> -> vector<32x8192xf32>
    %gt3A = arith.constant 0.000000e+00 : f32
    %gt3A_16 = vector.broadcast %gt3A : f32 to vector<8192xf32>
    %gt3A_17 = arith.cmpf ogt, %reduce_sum3A_14, %gt3A_16 : vector<8192xf32>
    %log3A = math.log %reduce_sum3A_14 : vector<8192xf32>
    %jit3A = arith.constant -1.000000e+30 : f32
    %broadcast_in_dim3A = vector.broadcast %jit3A : f32 to vector<8192xf32>
    %select_n3A = arith.select %gt3A_17, %log3A, %broadcast_in_dim3A : vector<8192xi1>, vector<8192xf32>
    %mul3A = arith.constant 0.0416666679 : f32
    %mul3A_18 = vector.broadcast %mul3A : f32 to vector<32x8192xf32>
    %mul3A_19 = arith.mulf %dot_general3A_15, %mul3A_18 : vector<32x8192xf32>
    %broadcast_in_dim3A_20 = vector.shape_cast %select_n3A : vector<8192xf32> to vector<1x8192xf32>
    %add3A = vector.broadcast %broadcast_in_dim3A_20 : vector<1x8192xf32> to vector<32x8192xf32>
    %add3A_21 = arith.addf %mul3A_19, %add3A : vector<32x8192xf32>
    %reduce_max3A = arith.constant dense<0xFF800000> : vector<32xf32>
    %reduce_max3A_22 = vector.multi_reduction <maximumf>, %add3A_21, %reduce_max3A [1] : vector<32x8192xf32> to vector<32xf32>
    %broadcast_in_dim3A_23 = vector.shape_cast %reduce_max3A_22 : vector<32xf32> to vector<32x1xf32>
    %sub3A = vector.broadcast %broadcast_in_dim3A_23 : vector<32x1xf32> to vector<32x8192xf32>
    %sub3A_24 = arith.subf %add3A_21, %sub3A : vector<32x8192xf32>
    %exp3A = math.exp %sub3A_24 : vector<32x8192xf32>
    %reduce_sum3A_25 = arith.constant dense<0.000000e+00> : vector<32xf32>
    %reduce_sum3A_26 = vector.multi_reduction <add>, %exp3A, %reduce_sum3A_25 [1] : vector<32x8192xf32> to vector<32xf32>
    %broadcast_in_dim3A_27 = vector.shape_cast %reduce_sum3A_26 : vector<32xf32> to vector<32x1xf32>
    %div3A = vector.broadcast %broadcast_in_dim3A_27 : vector<32x1xf32> to vector<32x8192xf32>
    %div3A_28 = arith.divf %exp3A, %div3A : vector<32x8192xf32>
    %convert_element_type3A = arith.truncf %div3A_28 : vector<32x8192xf32> to vector<32x8192xbf16>
    %slice3A = vector.extract_strided_slice %get3A_8 {offsets = [0, 0], sizes = [512, 8192], strides = [1, 1]} : vector<576x8192xbf16> to vector<512x8192xbf16>
    %dot_general3A_29 = arith.constant dense<0.000000e+00> : vector<32x512xf32>
    %dot_general3A_30 = tpu.matmul %convert_element_type3A, %slice3A, %dot_general3A_29 {dimension_numbers = #tpu.dot_dimension_numbers<[1], [1], [0], [0], [0, 0, 1, 0], [], []>, transpose_lhs_hint = false} : vector<32x8192xbf16>, vector<512x8192xbf16>, vector<32x512xf32> -> vector<32x512xf32>
    %swap3A = arith.constant 0 : index
    %swap3A_31 = arith.constant 0 : index
    %swap3A_32 = arith.constant 0 : index
    %swap3A_33 = vector.load %arg4[%swap3A, %swap3A_31, %swap3A_32] : memref<1x32x512xf32, #tpu.memory_space<vmem>>, vector<1x32x512xf32>
    %swap3A_34 = vector.shape_cast %swap3A_33 : vector<1x32x512xf32> to vector<32x512xf32>
    %swap3A_35 = vector.shape_cast %dot_general3A_30 : vector<32x512xf32> to vector<1x32x512xf32>
    tpu.vector_store %arg4[%swap3A, %swap3A_31, %swap3A_32], %swap3A_35 {strides = array<i32>} : memref<1x32x512xf32, #tpu.memory_space<vmem>>, vector<1x32x512xf32>,
    return
  }
  func.func @transform_0(%arg0: i32) -> (i32, i32, i32) {
    %c0_i32 = arith.constant 0 : i32
    %c0_i32_0 = arith.constant 0 : i32
    %c0_i32_1 = arith.constant 0 : i32
    return %arg0, %c0_i32, %c0_i32_0 : i32, i32, i32
  }
  func.func @transform_1(%arg0: i32) -> (i32, i32, i32) {
    %c0_i32 = arith.constant 0 : i32
    %c0_i32_0 = arith.constant 0 : i32
    %c0_i32_1 = arith.constant 0 : i32
    return %arg0, %c0_i32, %c0_i32_0 : i32, i32, i32
  }
  func.func @transform_2(%arg0: i32) -> (i32, i32, i32) {
    %c0_i32 = arith.constant 0 : i32
    %c0_i32_0 = arith.constant 0 : i32
    %c0_i32_1 = arith.constant 0 : i32
    return %arg0, %c0_i32, %c0_i32_0 : i32, i32, i32
  }
  func.func @transform_3(%arg0: i32) -> (i32, i32, i32) {
    %c0_i32 = arith.constant 0 : i32
    %c0_i32_0 = arith.constant 0 : i32
    %c0_i32_1 = arith.constant 0 : i32
    return %arg0, %c0_i32, %c0_i32_0 : i32, i32, i32
  }
}

</mosaic_0001>

<sc_bundles>
// kernel: kernel.4.cloned.1.call-start
scs
__scs_entry_jumppad:
0x0: {  	(pc) =	sbr.rel $0x88, $3  }
0x1: {  	(tag) =	ssettag $0x0;
	lr =	simm.s32 $0x1  }
0x2: {  	[smem:$0x3F9E] =	sst lr;
	_ =	strace $0xD0000000  }
0x3: {  	_ = 	snop  }
0x4: {  	_ = 	snop  }
0x5: {  	_ = 	snop  }
0x6: {  	_ = 	snop  }
0x7: {  	_ = 	snop  }
__scs_overlays_trampoline_lowered:
0x8: {  	[smem:$0x3FAD] =	sst s0  }
0x9: {  	[smem:$0x3FAE] =	sst s1  }
0xa: {  	[smem:$0x3FAF] =	sst s2  }
0xb: {  	[smem:$0x3FB0] =	sst s3  }
0xc: {  	[smem:$0x3FB1] =	sst s4  }
0xd: {  	[smem:$0x3FB2] =	sst s5  }
0xe: {  	[smem:$0x3FB3] =	sst s6  }
0xf: {  	[smem:$0x3FB4] =	sst s7  }
0x10: {  	[smem:$0x3FB5] =	sst s8  }
0x11: {  	[smem:$0x3FB6] =	sst s9;
	s0 =	simm.s32 @!p0 $0x0  }
0x12: {  	s1 =	sld [smem:$0x3F9C];
	s0 =	simm.s32 @p0 $0x1  }
0x13: {  	[smem:$0x3FB7] =	sst s0;
	s0 =	simm.s32 @!p1 $0x0  }
0x14: {  	s2 =	sld [smem:$0x3F9B];
	s0 =	simm.s32 @p1 $0x1  }
0x15: {  	[smem:$0x3FB8] =	sst s0;
	s0 =	simm.s32 @!p2 $0x0  }
0x16: {  	s3 =	sld [smem:$0x3FDB];
	s0 =	simm.s32 @p2 $0x1  }
0x17: {  	s4 =	simm.s32 $0x1BF5;
	[smem:$0x3FBA] =	sst s0  }
0x18: {  	s0 =	sld [smem:$0x3F9D];
	_ =	swait.ge [sflag:s4], $0x0  }
0x19: {  	s7 =	sld [smem:$0x3F9E]  }
0x1a: {  	s8 =	sadd.s32 $0xFFFFE003, lr  }
0x1b: {  	s9 =	sadd.s32 $0xFFFFFEF7, lr;
	s5 =	simm.s32 $0xFFFFFFFF;
	p2 =	slt.u32 s8, $0xFFFFF086  }
0x1c: {  	p1 =	slt.u32 s9, $0xF7A;
	s5 =	simm.s32 @!p2 $0x0  }
0x1d: {  	s5 =	simm.s32 @p1 $0x1;
	p0 =	seq.s32 s7, s2  }
0x1e: {  	s7 =	smul.u32 @!p0 $0xF7A, s2;
	p2 =	seq.s32 @!p0 s5, $0x0  }
0x1f: {  	s9 =	smul.u32 $0xF7A, s1;
	s8 =	simm.s32 @!p0 $0x1BF5;
	p2 =	por !p2, p0  }
0x20: {  	[sflag:s8] =	ssyncset.s32 @!p0 $0xFFFFF086;
	s6 =	sadd.s32 @!p0 s3, s7;
	s7 =	simm.s32 @!p0 $0x108  }
0x21: {  	s3 =	sadd.s32 s3, s9;
	s6 =	sadd.s32 @!p0 $0x88, s6;
	s7 =	simm.s32 @p2 $0x1082  }
0x22: {  	[simem:s7], [sflag:s8] =	dma.local @!p0 [hbm:s6], $0xF7A  }
0x23: {  	s9 =	sor.u32 $0xD0000000, s2;
	s6 =	simm.s32 $0x108;
	_ =	swait.ge @!p0 [sflag:s8], $0x0  }
0x24: {  	s3 =	sadd.s32 $0x88, s3;
	s6 =	simm.s32 @!p1 $0x1082;
	[sflag:s4] =	ssyncset.s32 $0xFFFFF086  }
0x25: {  	[simem:s6], [sflag:s4] =	dma.local [hbm:s3], $0xF7A  }
0x26: {  	[smem:$0x3F9E] =	sst s1;
	(tag) =	ssettag s2;
	_ =	strace s9  }
0x27: {  	s1 =	sld [smem:$0x3FAE]  }
0x28: {  	s2 =	sld [smem:$0x3FAF]  }
0x29: {  	s4 =	sld [smem:$0x3FB1]  }
0x2a: {  	p0 =	seq.s32 s5, $0x0;
	s5 =	sld [smem:$0x3FB2]  }
0x2b: {  	s6 =	sld [smem:$0x3FB3]  }
0x2c: {  	s7 =	sld [smem:$0x3FB4]  }
0x2d: {  	s3 =	simm.s32 $0x108;
	s8 =	sld [smem:$0x3FB5]  }
0x2e: {  	s3 =	simm.s32 @!p0 $0x1082;
	s9 =	sld [smem:$0x3FB6]  }
0x2f: {  	lr =	sadd.s32 s0, s3;
	s0 =	sld [smem:$0x3FAD]  }
0x30: {  	s3 =	sld [smem:$0x3FB0]  }
0x31: {  	[smem:$0x3FB9] =	sst s10  }
0x32: {  	s10 =	sld [smem:$0x3FB7];
	_ =	sdelay $0x3  }
0x33: {  	p0 =	seq.s32 s10, $0x1;
	s10 =	sld [smem:$0x3FB9];
	_ =	sdelay $0x3  }
0x34: {  	[smem:$0x3FB9] =	sst s10  }
0x35: {  	s10 =	sld [smem:$0x3FB8];
	_ =	sdelay $0x3  }
0x36: {  	p1 =	seq.s32 s10, $0x1;
	s10 =	sld [smem:$0x3FB9];
	_ =	sdelay $0x3  }
0x37: {  	[smem:$0x3FB9] =	sst s10  }
0x38: {  	s10 =	sld [smem:$0x3FBA]  }
0x39: {  	_ = 	snop;
	(pc) =	sbr.ind lr, $3  }
0x3a: {  	_ = 	snop  }
0x3b: {  	_ = 	snop  }
0x3c: {  	p2 =	seq.s32 s10, $0x1;
	s10 =	sld [smem:$0x3FB9]  }
0x3d: {  	_ =	shalt  }
0x3e: {  	_ =	shalt  }
0x3f: {  	_ =	shalt  }
0x40: {  	_ =	shalt  }
0x41: {  	_ =	shalt  }
0x42: {  	_ =	shalt  }
0x43: {  	_ =	shalt  }
0x44: {  	_ =	shalt  }
0x45: {  	_ =	shalt  }
0x46: {  	_ =	shalt  }
0x47: {  	_ =	shalt  }
0x48: {  	_ =	shalt  }
0x49: {  	_ =	shalt  }
0x4a: {  	_ =	shalt  }
0x4b: {  	_ =	shalt  }
0x4c: {  	_ =	shalt  }
0x4d: {  	_ =	shalt  }
0x4e: {  	_ =	shalt  }
0x4f: {  	_ =	shalt  }
0x50: {  	_ =	shalt  }
0x51: {  	_ =	shalt  }
0x52: {  	_ =	shalt  }
0x53: {  	_ =	shalt  }
0x54: {  	_ =	shalt  }
0x55: {  	_ =	shalt  }
0x56: {  	_ =	shalt  }
0x57: {  	_ =	shalt  }
0x58: {  	_ =	shalt  }
0x59: {  	_ =	shalt  }
0x5a: {  	_ =	shalt  }
0x5b: {  	_ =	shalt  }
0x5c: {  	_ =	shalt  }
0x5d: {  	_ =	shalt  }
0x5e: {  	_ =	shalt  }
0x5f: {  	_ =	shalt  }
0x60: {  	_ =	shalt  }
0x61: {  	_ =	shalt  }
0x62: {  	_ =	shalt  }
0x63: {  	_ =	shalt  }
0x64: {  	_ =	shalt  }
0x65: {  	_ =	shalt  }
0x66: {  	_ =	shalt  }
0x67: {  	_ =	shalt  }
0x68: {  	_ =	shalt  }
0x69: {  	_ =	shalt  }
0x6a: {  	_ =	shalt  }
0x6b: {  	_ =	shalt  }
0x6c: {  	_ =	shalt  }
0x6d: {  	_ =	shalt  }
0x6e: {  	_ =	shalt  }
0x6f: {  	_ =	shalt  }
0x70: {  	_ =	shalt  }
0x71: {  	_ =	shalt  }
0x72: {  	_ =	shalt  }
0x73: {  	_ =	shalt  }
0x74: {  	_ =	shalt  }
0x75: {  	_ =	shalt  }
0x76: {  	_ =	shalt  }
0x77: {  	_ =	shalt  }
0x78: {  	_ =	shalt  }
0x79: {  	_ =	shalt  }
0x7a: {  	_ =	shalt  }
0x7b: {  	_ =	shalt  }
0x7c: {  	_ =	shalt  }
0x7d: {  	_ =	shalt  }
0x7e: {  	_ =	shalt  }
0x7f: {  	_ =	shalt  }
0x80: {  	_ =	shalt  }
0x81: {  	_ =	shalt  }
0x82: {  	_ =	shalt  }
0x83: {  	_ =	shalt  }
0x84: {  	_ =	shalt  }
0x85: {  	_ =	shalt  }
0x86: {  	_ =	shalt  }
0x87: {  	_ =	shalt  }
.Lfunc_end0:
.L_simem_size_0:
called_computation_lowered:
.L_overlay_start_0:
0x88: {  	s2 =	sld [smem:$0x3FD9]  }
0x89: {  	s3 =	sld [smem:$0x3FFE];
	_ =	sdelay $0x1  }
0x8a: {  	s1 =	srdreg.scid  }
0x8b: {  	s0 =	sand.u32 $0x1, s1  }
0x8c: {  	s17 =	sshll.u32 s0, $0xA;
	s2 =	sadd.s32 s3, s2  }
0x8d: {  	s2 =	sadd.s32 s2, s17  }
0x8e: {  	[smem:$0x3FC5] =	sst s2  }
0x8f: {  	_ = 	snop  }
0x90: {  	s2 =	sld [smem:$0x3FC7];
	(tm) =	ssettm $0x1  }
0x91: {  	s18 =	sld [smem:$0x3FFB];
	_ =	sdelay $0x3  }
0x92: {  	_ =	strace s18  }
0x93: {  	s3 =	sld [smem:$0x3FFC];
	_ =	sdelay $0x3  }
0x94: {  	_ =	strace s3  }
0x95: {  	s3 =	sld [smem:$0x3FFD];
	_ =	sdelay $0x3  }
0x96: {  	_ =	strace s3  }
0x97: {  	_ =	strace $0x8FFFFFFF  }
0x98: {  	s19 =	sld [smem:$0x3FDB];
	_ =	sdelay $0x1  }
0x99: {  	s4 =	simm.s32 $_scs_section_size  }
0x9a: {  	s5 =	simm.s32 $_size__tile_overlayer_lowered;
	s6 =	simm.s32 $_tile_overlayer_lowered  }
0x9b: {  	s22 =	simm.s32 $0x1BFF;
	s21 =	sshll.u32 s6, $0x1;
	s3 =	sadd.s32 s4, s19  }
0x9c: {  	s7 =	simm.s32 $0x0;
	s20 =	sshll.u32 s5, $0x1;
	s5 =	sadd.s32 s21, s3  }
0x9d: {  	[timem:s7], [sflag:s22] =	dma.local [hbm:s5], s20  }
0x9e: {  	_ =	swait.ge [sflag:s22], s20  }
0x9f: {  	s4 =	ssub.s32 $0x0, s20;
	[sflag:s22] =	ssyncset.done $0x0  }
0xa0: {  	[sflag:s22] =	ssyncadd.s32 s4;
	_ =	sdelay $0x1  }
0xa1: {  	s23 =	simm.s32 $0x1B8B  }
0xa2: {  	_ =	swait.ge [sflag:s23], $0x1  }
0xa3: {  	[sflag:s23] =	ssyncset.done $0x0  }
0xa4: {  	s25 =	simm.s32 $0x1B8E;
	s24 =	sld [smem:$0x3FFE];
	[sflag:s23] =	ssyncadd.s32 $0xFFFFFFFF  }
0xa5: {  	s26 =	simm.s32 $execute0_lowered;
	[smem:$0x3FD2] =	sst s25  }
0xa6: {  	s5 =	sshll.u32 s26, $0x1;
	_ =	strace $0x80000046;
	[dreg:$0x1] =	wrdreg $0xFFFFFFFF  }
0xa7: {  	s28 =	simm.s32 $_size_execute0_lowered;
	s3 =	sadd.s32 s3, s5;
	[dreg:$0x0] =	wrdreg $0x0  }
0xa8: {  	s5 =	sshll.u32 s28, $0x1;
	[dreg:$0x2] =	wrdreg s3  }
0xa9: {  	[dreg:$0x3] =	wrdreg s5  }
0xaa: {  	[dreg:$0x4] =	wrdreg $0xC0  }
0xab: {  	_ =	task [dreg:s7], $0x5FFFF  }
0xac: {  	[dreg:$0x1] =	wrdreg $0xFFFFFFFF  }
0xad: {  	[dreg:$0x0] =	wrdreg $0x60  }
0xae: {  	[dreg:$0x2] =	wrdreg s2  }
0xaf: {  	[dreg:$0x3] =	wrdreg s24  }
0xb0: {  	[dreg:$0x4] =	wrdreg $0x9  }
0xb1: {  	_ =	task.clear_ibuf [dreg:s7], $0x5FFFF;
	_ =	strace $0x90000046  }
0xb2: {  	s29 =	simm.s32 $0x9;
	_ =	strace $0x80000048  }
0xb3: {  	_ =	swait.ge [sflag:s29], $0x1  }
0xb4: {  	[sflag:s29] =	ssyncadd.s32 $0xFFFFFFFF  }
0xb5: {  	_ =	strace $0x90000048  }
0xb6: {  	_ =	sfence  }
0xb7: {  	s30 =	sld [smem:$0x0];
	_ =	sdelay $0x2  }
0xb8: {  	s31 =	sshll.u32 s1, $0xD;
	s1 =	sshrl.u32 s1, $0x2  }
0xb9: {  	s3 =	sand.u32 $0x4000, s31;
	s1 =	sadd.s32 s1, s30  }
0xba: {  	s0 =	sor.u32 s3, s0;
	s1 =	sshll.u32 s1, $0x11  }
0xbb: {  	s0 =	sor.u32 s1, s0  }
0xbc: {  	s0 =	sadd.s32 $0x8F2B, s0  }
0xbd: {  	[sflag:s0] =	ssyncadd.remote.s32 $0x1  }
0xbe: {  	_ =	sfence.sel $0xFFFF  }
0xbf: {  	[dreg:$0x0] =	wrdreg $0xFFFFFFFF;
	(pc) =	sbr.abs _section_cstart, $3  }
0xc0: {  	[dreg:$0x1] =	wrdreg $0xFFFFFFFF  }
0xc1: {  	_ =	task.clear_ibuf [dreg:s7], $0x2FFFF;
	_ =	strace $0x9FFFFFFF  }
0xc2: {  	(tm) =	ssettm $0x7FFFFFFF  }
0xc3: {  	_ =	shalt  }
tec
execute0_lowered:
.L_overlay_start_1:
0x0: {  	(tag) =	ssettag $0x1  }
0x1: {  	s3 =	rddreg [dreg:$0x0]  }
0x2: {  	s4 =	rddreg [dreg:$0x1]  }
0x3: {  	s0 =	rddreg [dreg:$0x2]  }
0x4: {  	s2 =	simm.s32 $0x0;
	s1 =	stileid.u32;
	s6 =	srdreg.scid  }
0x5: {  	[smem:$0x7FF] =	sst s2;
	s5 =	sshrl.u32 s1, $0x1;
	s6 =	sand.u32 $0x1, s6  }
0x6: {  	s8 =	sshll.u32 s1, $0x1;
	_ =	strace $0x80000047;
	s7 =	sshll.u32 s5, $0xC  }
0x7: {  	s29 =	ssub.s32 $0x2, s6;
	s8 =	sand.u32 $0x2, s8;
	s5 =	sshll.u32 s5, $0x8  }
0x8: {  	s4 =	sadd.s32 s7, s4;
	s9 =	sshrl.u32 s29, $0x1;
	s6 =	sor.u32 s6, s8  }
0x9: {  	s3 =	sadd.s32 s3, s5;
	s7 =	simm.s32 $0x200;
	s8 =	sshll.u32 s6, $0x6  }
0xa: {  	s30 =	sshll.u32 s6, $0x4;
	s31 =	ssub.s32 s29, s9;
	s6 =	simm.s32 $0x1  }
0xb: {  	s9 =	simm.s32 $0x0;
	s3 =	sadd.s32 s8, s3;
	s4 =	sadd.s32 s30, s4  }
0xc: {  	v0 =	vimm.f32 $0.0e+00;
	v1 =	vimm.f32 $1.000000000e+00;
	s5 =	smax.u32 s31, $0x1;
	s8 =	simm.s32 $0x80;
	s4 =	sadd.s32 $0x600, s4  }
.LBB2_1:
0xd: {  	[tilespmem:s2], [sflag:$0x1] =	stream.linear.gather [hbm4b:s3+s2], $0x200, $0x38;
	[tilespmem:$0x2200] =	vst v63  }
0xe: {  	_ =	swait.ge [sflag:s6], $0x200  }
0xf: {  	[sflag:s6] =	ssyncset.done $0x0  }
0x10: {  	s10 =	simm.s32 $0x40;
	s11 =	simm.s32 $0x0;
	[sflag:s6] =	ssyncadd.s32 $0xFFFFFE00  }
.LBB2_2:
0x11: {  	p0 =	sne.s32 s10, $0x7FC0;
	[tilespmem:s11+$0x200] =	vst v0;
	s11 =	smov.u32 s10;
	s10 =	sadd.s32 $0x40, s10  }
.Ltmp0:
0x12: {  	(pc) =	sbr.rel @p0 .LBB2_2-.Ltmp0, $2  }
0x13: {  	_ =	sdelay $0x2  }
0x14: {  	s11 =	sshra.s32 s11, $0x2  }
0x15: {  	[tilespmem:s11+$0x200] =	vst v0  }
0x16: {  	v2 =	vld [tilespmem:$0x0];
	_ =	sdelay $0x7  }
0x17: {  	[tilespmem:v2+s7+$0x0] =	vst.idx.add.f32.msk $0xffff, v1  }
0x18: {  	v2 =	vld [tilespmem:$0x10];
	_ =	sdelay $0x7  }
0x19: {  	[tilespmem:v2+s7+$0x0] =	vst.idx.add.f32.msk $0xffff, v1  }
0x1a: {  	v2 =	vld [tilespmem:$0x20];
	_ =	sdelay $0x7  }
0x1b: {  	[tilespmem:v2+s7+$0x0] =	vst.idx.add.f32.msk $0xffff, v1  }
0x1c: {  	v2 =	vld [tilespmem:$0x30];
	_ =	sdelay $0x7  }
0x1d: {  	[tilespmem:v2+s7+$0x0] =	vst.idx.add.f32.msk $0xffff, v1  }
0x1e: {  	v2 =	vld [tilespmem:$0x40];
	_ =	sdelay $0x7  }
0x1f: {  	[tilespmem:v2+s7+$0x0] =	vst.idx.add.f32.msk $0xffff, v1  }
0x20: {  	v2 =	vld [tilespmem:$0x50];
	_ =	sdelay $0x7  }
0x21: {  	[tilespmem:v2+s7+$0x0] =	vst.idx.add.f32.msk $0xffff, v1  }
0x22: {  	v2 =	vld [tilespmem:$0x60];
	_ =	sdelay $0x7  }
0x23: {  	[tilespmem:v2+s7+$0x0] =	vst.idx.add.f32.msk $0xffff, v1  }
0x24: {  	v2 =	vld [tilespmem:$0x70];
	_ =	sdelay $0x7  }
0x25: {  	[tilespmem:v2+s7+$0x0] =	vst.idx.add.f32.msk $0xffff, v1  }
0x26: {  	v2 =	vld [tilespmem:$0x80];
	_ =	sdelay $0x7  }
0x27: {  	[tilespmem:v2+s7+$0x0] =	vst.idx.add.f32.msk $0xffff, v1  }
0x28: {  	v2 =	vld [tilespmem:$0x90];
	_ =	sdelay $0x7  }
0x29: {  	[tilespmem:v2+s7+$0x0] =	vst.idx.add.f32.msk $0xffff, v1  }
0x2a: {  	v2 =	vld [tilespmem:$0xA0];
	_ =	sdelay $0x7  }
0x2b: {  	[tilespmem:v2+s7+$0x0] =	vst.idx.add.f32.msk $0xffff, v1  }
0x2c: {  	v2 =	vld [tilespmem:$0xB0];
	_ =	sdelay $0x7  }
0x2d: {  	[tilespmem:v2+s7+$0x0] =	vst.idx.add.f32.msk $0xffff, v1  }
0x2e: {  	v2 =	vld [tilespmem:$0xC0];
	_ =	sdelay $0x7  }
0x2f: {  	[tilespmem:v2+s7+$0x0] =	vst.idx.add.f32.msk $0xffff, v1  }
0x30: {  	v2 =	vld [tilespmem:$0xD0];
	_ =	sdelay $0x7  }
0x31: {  	[tilespmem:v2+s7+$0x0] =	vst.idx.add.f32.msk $0xffff, v1  }
0x32: {  	v2 =	vld [tilespmem:$0xE0];
	_ =	sdelay $0x7  }
0x33: {  	[tilespmem:v2+s7+$0x0] =	vst.idx.add.f32.msk $0xffff, v1  }
0x34: {  	v2 =	vld [tilespmem:$0xF0];
	_ =	sdelay $0x7  }
0x35: {  	[tilespmem:v2+s7+$0x0] =	vst.idx.add.f32.msk $0xffff, v1  }
0x36: {  	v2 =	vld [tilespmem:$0x100];
	_ =	sdelay $0x7  }
0x37: {  	[tilespmem:v2+s7+$0x0] =	vst.idx.add.f32.msk $0xffff, v1  }
0x38: {  	v2 =	vld [tilespmem:$0x110];
	_ =	sdelay $0x7  }
0x39: {  	[tilespmem:v2+s7+$0x0] =	vst.idx.add.f32.msk $0xffff, v1  }
0x3a: {  	v2 =	vld [tilespmem:$0x120];
	_ =	sdelay $0x7  }
0x3b: {  	[tilespmem:v2+s7+$0x0] =	vst.idx.add.f32.msk $0xffff, v1  }
0x3c: {  	v2 =	vld [tilespmem:$0x130];
	_ =	sdelay $0x7  }
0x3d: {  	[tilespmem:v2+s7+$0x0] =	vst.idx.add.f32.msk $0xffff, v1  }
0x3e: {  	v2 =	vld [tilespmem:$0x140];
	_ =	sdelay $0x7  }
0x3f: {  	[tilespmem:v2+s7+$0x0] =	vst.idx.add.f32.msk $0xffff, v1  }
0x40: {  	v2 =	vld [tilespmem:$0x150];
	_ =	sdelay $0x7  }
0x41: {  	[tilespmem:v2+s7+$0x0] =	vst.idx.add.f32.msk $0xffff, v1  }
0x42: {  	v2 =	vld [tilespmem:$0x160];
	_ =	sdelay $0x7  }
0x43: {  	[tilespmem:v2+s7+$0x0] =	vst.idx.add.f32.msk $0xffff, v1  }
0x44: {  	v2 =	vld [tilespmem:$0x170];
	_ =	sdelay $0x7  }
0x45: {  	[tilespmem:v2+s7+$0x0] =	vst.idx.add.f32.msk $0xffff, v1  }
0x46: {  	v2 =	vld [tilespmem:$0x180];
	_ =	sdelay $0x7  }
0x47: {  	[tilespmem:v2+s7+$0x0] =	vst.idx.add.f32.msk $0xffff, v1  }
0x48: {  	v2 =	vld [tilespmem:$0x190];
	_ =	sdelay $0x7  }
0x49: {  	[tilespmem:v2+s7+$0x0] =	vst.idx.add.f32.msk $0xffff, v1  }
0x4a: {  	v2 =	vld [tilespmem:$0x1A0];
	_ =	sdelay $0x7  }
0x4b: {  	[tilespmem:v2+s7+$0x0] =	vst.idx.add.f32.msk $0xffff, v1  }
0x4c: {  	v2 =	vld [tilespmem:$0x1B0];
	_ =	sdelay $0x7  }
0x4d: {  	[tilespmem:v2+s7+$0x0] =	vst.idx.add.f32.msk $0xffff, v1  }
0x4e: {  	v2 =	vld [tilespmem:$0x1C0];
	_ =	sdelay $0x7  }
0x4f: {  	[tilespmem:v2+s7+$0x0] =	vst.idx.add.f32.msk $0xffff, v1  }
0x50: {  	v2 =	vld [tilespmem:$0x1D0];
	_ =	sdelay $0x7  }
0x51: {  	[tilespmem:v2+s7+$0x0] =	vst.idx.add.f32.msk $0xffff, v1  }
0x52: {  	v2 =	vld [tilespmem:$0x1E0];
	_ =	sdelay $0x7  }
0x53: {  	[tilespmem:v2+s7+$0x0] =	vst.idx.add.f32.msk $0xffff, v1  }
0x54: {  	v2 =	vld [tilespmem:$0x1F0];
	_ =	sdelay $0x5  }
0x55: {  	s9 =	sadd.s32 $0x1, s9  }
0x56: {  	p0 =	sne.s32 s9, s5  }
.Ltmp1:
0x57: {  	[tilespmem:v2+s7+$0x0] =	vst.idx.add.f32.msk $0xffff, v1;
	(pc) =	sbr.rel @p0 .LBB2_1-.Ltmp1, $4  }
0x58: {  	[hbm4b:s4+s8] =	stream.strided.scatter [tilespmem:s7], [sflag:$0x1], $0x2000, s7, s8, $0x38;
	[tilespmem:$0x2200] =	vst v63  }
0x59: {  	_ =	swait.ge [sflag:s6], $0x2000  }
0x5a: {  	[sflag:s6] =	ssyncset.done $0x0  }
0x5b: {  	[sflag:s6] =	ssyncadd.s32 $0xFFFFE000  }
0x5c: {  	_ =	sfence.sel $0x180000  }
0x5d: {  	[bflag:$0x0] =	sbarrier.arrive $0xFFFF  }
0x5e: {  	p0 =	sne.s32 s1, $0x0;
	_ =	strace $0x90000047  }
0x5f: {  	s0 =	sadd.s32 @!p0 $0x100000, s0;
	[bflag:$0x2] =	sbarrier.arrive $0xFFFF  }
0x60: {  	[sflag:s0] =	ssyncadd.tile.s32 @!p0 $0x1;
	_ =	shalt  }
.Lfunc_end2:
_tile_overlayer_lowered:
.L_overlay_start_2:
0x61: {  	(tag) =	ssettag $0x2  }
0x62: {  	s0 =	rddreg [dreg:$0x0];
	s2 =	stileid.u32  }
0x63: {  	s1 =	rddreg [dreg:$0x1];
	p0 =	sne.s32 s2, $0x0  }
0x64: {  	s3 =	rddreg [dreg:$0x2];
	[bflag:$0x3] =	sbarrier.arrive $0xFFFF;
	s2 =	simm.s32 @!p0 $0x1C01  }
0x65: {  	[timem:s3], [sflag:s2] =	dma.local @!p0 [hbm:s0], s1  }
0x66: {  	s0 =	simm.s32 @!p0 $0x1  }
0x67: {  	_ =	swait.ge @!p0 [sflag:s0], s1  }
0x68: {  	s1 =	ssub.s32 @!p0 $0x0, s1;
	[sflag:s0] =	ssyncset.done @!p0 $0x0  }
0x69: {  	[sflag:s0] =	ssyncadd.s32 @!p0 s1  }
0x6a: {  	[bflag:$0x3] =	sbarrier.arrive $0xFFFF  }
0x6b: {  	_ =	shalt  }

</sc_bundles>
